<compile_context>
chip_gen: v7x
topology: tpu7x:2x2x1
jax: 0.10.2.dev20260603
libtpu: 0.0.44.dev20260713+nightly
codegen_flags: <defaults>
</compile_context>

<pallas_src>
import jax
import jax.numpy as jnp
from jax import lax
from jax.experimental import pallas as pl
from jax.experimental.pallas import tpu as pltpu
from jax.experimental.pallas import tpu_sc as plsc

N_CLS = 1000
N_CTX = 16
D = 768
CTX_LEN = 77
SUF = CTX_LEN - 1 - N_CTX
SUF_MAIN = 56
TAIL = 8
NW = 32
PER_W = 32


def _body(
    ctx_hbm,
    prefix_hbm,
    suffix_hbm,
    suffix_flat_hbm,
    idx_ctx_hbm,
    idx_suf_hbm,
    idx_tail_even_hbm,
    idx_tail_odd_hbm,
    out_hbm,
    ctx_v,
    suf_v,
    tail_v,
    idx_ctx_v,
    idx_suf_v,
    idx_tail_even_v,
    idx_tail_odd_v,
):
    wid = lax.axis_index("s") * 2 + lax.axis_index("c")
    pltpu.sync_copy(ctx_hbm, ctx_v)
    pltpu.sync_copy(idx_ctx_hbm, idx_ctx_v)
    pltpu.sync_copy(idx_suf_hbm, idx_suf_v)
    pltpu.sync_copy(idx_tail_even_hbm, idx_tail_even_v)
    pltpu.sync_copy(idx_tail_odd_hbm, idx_tail_odd_v)

    def cls_body(i, carry):
        c = wid * PER_W + i

        @pl.when(c < N_CLS)
        def _do():
            out_c = out_hbm.at[c]
            pltpu.sync_copy(suffix_hbm.at[c].at[pl.ds(0, SUF_MAIN)], suf_v)
            pltpu.sync_copy(suf_v, out_c.at[idx_suf_v])

            is_odd = lax.rem(c, 2)
            off = pl.multiple_of(c * SUF + SUF_MAIN - 4 * is_odd, 8)
            pltpu.sync_copy(suffix_flat_hbm.at[pl.ds(off, TAIL)], tail_v)

            @pl.when(is_odd == 0)
            def _even():
                pltpu.sync_copy(tail_v, out_c.at[idx_tail_even_v])

            @pl.when(is_odd == 1)
            def _odd():
                pltpu.sync_copy(tail_v, out_c.at[idx_tail_odd_v])

            pltpu.sync_copy(ctx_v, out_c.at[idx_ctx_v])
            pltpu.sync_copy(prefix_hbm.at[c], out_c.at[pl.ds(0, 1)])

        return carry

    lax.fori_loop(0, PER_W, cls_body, 0)


def kernel(ctx, prefix_embedding, suffix_embedding):
    suffix_flat = suffix_embedding.reshape(N_CLS * SUF, D)
    idx_ctx = jnp.arange(1, 1 + N_CTX, dtype=jnp.int32)
    idx_suf = jnp.arange(1 + N_CTX, 1 + N_CTX + SUF_MAIN, dtype=jnp.int32)
    idx_tail_even = jnp.array([73, 74, 75, 76, 1, 2, 3, 4], dtype=jnp.int32)
    idx_tail_odd = jnp.arange(CTX_LEN - TAIL, CTX_LEN, dtype=jnp.int32)
    mesh = plsc.VectorSubcoreMesh(core_axis_name="c", subcore_axis_name="s")
    k = pl.kernel(
        _body,
        out_type=jax.ShapeDtypeStruct((N_CLS, CTX_LEN, D), jnp.float32),
        mesh=mesh,
        scratch_types=[
            pltpu.VMEM((N_CTX, D), jnp.float32),
            pltpu.VMEM((SUF_MAIN, D), jnp.float32),
            pltpu.VMEM((TAIL, D), jnp.float32),
            pltpu.VMEM((N_CTX,), jnp.int32),
            pltpu.VMEM((SUF_MAIN,), jnp.int32),
            pltpu.VMEM((TAIL,), jnp.int32),
            pltpu.VMEM((TAIL,), jnp.int32),
        ],
    )
    return k(
        ctx,
        prefix_embedding,
        suffix_embedding,
        suffix_flat,
        idx_ctx,
        idx_suf,
        idx_tail_even,
        idx_tail_odd,
    )

# --- scband reference (transcript-rebuilt; emitter-appended) ---
"""Pipeline reference for scband-prompt-learner-89404039233618 (READ-ONLY COPY).

The authoritative reference and input builder live on the scoring server;
editing this copy changes nothing except your own understanding.
"""

import jax, jax.numpy as jnp
import numpy as np

N_CLS = 1000
N_CTX = 16
CTX_DIM = 768
CONTEXT_LENGTH = 77
SUFFIX_LEN = CONTEXT_LENGTH - 1 - N_CTX  # 60


def setup_inputs(seed: int = 0) -> dict:
    key = jax.random.key(seed)
    k1, k2, k3 = jax.random.split(key, 3)
    # Learnable shared context vectors (csc=False), init std=0.02 like nn.init.normal_
    ctx = jax.random.normal(k1, (N_CTX, CTX_DIM), dtype=jnp.float32) * 0.02
    # Frozen buffers: SOT embedding prefix and class-token+EOT+PAD suffix embeddings
    prefix_embedding = jax.random.normal(k2, (N_CLS, 1, CTX_DIM), dtype=jnp.float32)
    suffix_embedding = jax.random.normal(k3, (N_CLS, SUFFIX_LEN, CTX_DIM), dtype=jnp.float32)
    return {
        "ctx": ctx,
        "prefix_embedding": prefix_embedding,
        "suffix_embedding": suffix_embedding,
    }


def reference(ctx, prefix_embedding, suffix_embedding):
    """Faithful JAX translation of PromptLearner.forward (csc=False path).

    prompts = cat([prefix [n_cls,1,d], ctx expanded [n_cls,n_ctx,d], suffix [n_cls,L-1-n_ctx,d]], dim=1)
    """
    n_cls = prefix_embedding.shape[0]
    # ctx.unsqueeze(0).expand(n_cls, -1, -1)
    ctx_expanded = jnp.broadcast_to(ctx[None, :, :], (n_cls, ctx.shape[0], ctx.shape[1]))
    prompts = jnp.concatenate([prefix_embedding, ctx_expanded, suffix_embedding], axis=1)
    assert prompts.shape[1] == CONTEXT_LENGTH
    return prompts

if __name__ == "__main__":
    import jax
    _d = setup_inputs()
    print(jax.jit(kernel)(*tuple(_d.values())))

</pallas_src>

<mosaic_0001>
#map = affine_map<(d0, d1) -> (0, 0)>
#map1 = affine_map<(d0, d1) -> (0, 0, 0)>
#map2 = affine_map<(d0, d1) -> (0)>
module attributes {stable_mosaic.version = 14 : i64} {
  func.func @_body(%arg0: i32, %arg1: i32, %arg2: memref<16x768xf32, #tpu.memory_space<hbm>>, %arg3: memref<1000x1x768xf32, #tpu.memory_space<hbm>>, %arg4: memref<1000x60x768xf32, #tpu.memory_space<hbm>>, %arg5: memref<60000x768xf32, #tpu.memory_space<hbm>>, %arg6: memref<16xi32, #tpu.memory_space<hbm>>, %arg7: memref<56xi32, #tpu.memory_space<hbm>>, %arg8: memref<8xi32, #tpu.memory_space<hbm>>, %arg9: memref<8xi32, #tpu.memory_space<hbm>>, %arg10: memref<1000x77x768xf32, #tpu.memory_space<hbm>>, %arg11: memref<16x768xf32, #tpu.memory_space<vmem>>, %arg12: memref<56x768xf32, #tpu.memory_space<vmem>>, %arg13: memref<8x768xf32, #tpu.memory_space<vmem>>, %arg14: memref<16xi32, #tpu.memory_space<vmem>>, %arg15: memref<56xi32, #tpu.memory_space<vmem>>, %arg16: memref<8xi32, #tpu.memory_space<vmem>>, %arg17: memref<8xi32, #tpu.memory_space<vmem>>) attributes {dimension_semantics = [#tpu.dimension_semantics<core_parallel>, #tpu.dimension_semantics<subcore_parallel>], iteration_bounds = array<i64: 2, 16>, scalar_prefetch = 0 : i64, scratch_operands = 7 : i64, tpu.core_type = #tpu.core_type<sc_vector_subcore>, window_params = [{transform_indices = #map}, {transform_indices = #map1}, {transform_indices = #map1}, {transform_indices = #map}, {transform_indices = #map2}, {transform_indices = #map2}, {transform_indices = #map2}, {transform_indices = #map2}, {transform_indices = #map1}]} {
    %mul3A = arith.constant 2 : i32
    %mul3A_0 = arith.muli %arg1, %mul3A : i32
    %add3A = arith.addi %mul3A_0, %arg0 : i32
    "tpu.region"() ({
      %run_scoped3A = tpu.sem_alloc : memref<!tpu.dma_semaphore, #tpu.memory_space<semaphore_mem>>
      tpu.enqueue_dma source(%arg2 : memref<16x768xf32, #tpu.memory_space<hbm>>) target(%arg11 : memref<16x768xf32, #tpu.memory_space<vmem>>) target_semaphore(%run_scoped3A : memref<!tpu.dma_semaphore, #tpu.memory_space<semaphore_mem>>)
      tpu.wait_dma2 semaphore(%run_scoped3A : memref<!tpu.dma_semaphore, #tpu.memory_space<semaphore_mem>>) src(%arg2 : memref<16x768xf32, #tpu.memory_space<hbm>>) dst(%arg11 : memref<16x768xf32, #tpu.memory_space<vmem>>)
      tpu.yield
    }) : () -> ()
    "tpu.region"() ({
      %run_scoped3A = tpu.sem_alloc : memref<!tpu.dma_semaphore, #tpu.memory_space<semaphore_mem>>
      tpu.enqueue_dma source(%arg6 : memref<16xi32, #tpu.memory_space<hbm>>) target(%arg14 : memref<16xi32, #tpu.memory_space<vmem>>) target_semaphore(%run_scoped3A : memref<!tpu.dma_semaphore, #tpu.memory_space<semaphore_mem>>)
      tpu.wait_dma2 semaphore(%run_scoped3A : memref<!tpu.dma_semaphore, #tpu.memory_space<semaphore_mem>>) src(%arg6 : memref<16xi32, #tpu.memory_space<hbm>>) dst(%arg14 : memref<16xi32, #tpu.memory_space<vmem>>)
      tpu.yield
    }) : () -> ()
    "tpu.region"() ({
      %run_scoped3A = tpu.sem_alloc : memref<!tpu.dma_semaphore, #tpu.memory_space<semaphore_mem>>
      tpu.enqueue_dma source(%arg7 : memref<56xi32, #tpu.memory_space<hbm>>) target(%arg15 : memref<56xi32, #tpu.memory_space<vmem>>) target_semaphore(%run_scoped3A : memref<!tpu.dma_semaphore, #tpu.memory_space<semaphore_mem>>)
      tpu.wait_dma2 semaphore(%run_scoped3A : memref<!tpu.dma_semaphore, #tpu.memory_space<semaphore_mem>>) src(%arg7 : memref<56xi32, #tpu.memory_space<hbm>>) dst(%arg15 : memref<56xi32, #tpu.memory_space<vmem>>)
      tpu.yield
    }) : () -> ()
    "tpu.region"() ({
      %run_scoped3A = tpu.sem_alloc : memref<!tpu.dma_semaphore, #tpu.memory_space<semaphore_mem>>
      tpu.enqueue_dma source(%arg8 : memref<8xi32, #tpu.memory_space<hbm>>) target(%arg16 : memref<8xi32, #tpu.memory_space<vmem>>) target_semaphore(%run_scoped3A : memref<!tpu.dma_semaphore, #tpu.memory_space<semaphore_mem>>)
      tpu.wait_dma2 semaphore(%run_scoped3A : memref<!tpu.dma_semaphore, #tpu.memory_space<semaphore_mem>>) src(%arg8 : memref<8xi32, #tpu.memory_space<hbm>>) dst(%arg16 : memref<8xi32, #tpu.memory_space<vmem>>)
      tpu.yield
    }) : () -> ()
    "tpu.region"() ({
      %run_scoped3A = tpu.sem_alloc : memref<!tpu.dma_semaphore, #tpu.memory_space<semaphore_mem>>
      tpu.enqueue_dma source(%arg9 : memref<8xi32, #tpu.memory_space<hbm>>) target(%arg17 : memref<8xi32, #tpu.memory_space<vmem>>) target_semaphore(%run_scoped3A : memref<!tpu.dma_semaphore, #tpu.memory_space<semaphore_mem>>)
      tpu.wait_dma2 semaphore(%run_scoped3A : memref<!tpu.dma_semaphore, #tpu.memory_space<semaphore_mem>>) src(%arg9 : memref<8xi32, #tpu.memory_space<hbm>>) dst(%arg17 : memref<8xi32, #tpu.memory_space<vmem>>)
      tpu.yield
    }) : () -> ()
    %scan3A = arith.constant 0 : i32
    %scan3A_1 = arith.constant 0 : i32
    %scan3A_2 = arith.constant 32 : i32
    %scan3A_3 = arith.addi %scan3A_1, %scan3A_2 : i32
    %scan3A_4 = arith.constant 1 : i32
    scf.for %scan3A_6 = %scan3A_1 to %scan3A_3 step %scan3A_4  : i32 {
      %mul3A_7 = arith.constant 32 : i32
      %mul3A_8 = arith.muli %add3A, %mul3A_7 : i32
      %add3A_9 = arith.addi %mul3A_8, %scan3A_6 : i32
      %lt3A = arith.constant 1000 : i32
      %lt3A_10 = arith.cmpi slt, %add3A_9, %lt3A : i32
      %convert_element_type3A = arith.extui %lt3A_10 : i1 to i32
      %cond3A = arith.constant 0 : i32
      %cond3A_11 = arith.cmpi ne, %convert_element_type3A, %cond3A : i32
      scf.if %cond3A_11 {
        "tpu.region"() ({
          %run_scoped3A = tpu.sem_alloc : memref<!tpu.dma_semaphore, #tpu.memory_space<semaphore_mem>>
          %dma_start3A = arith.constant 0 : i32
          %dma_start3A_28 = arith.constant 0 : i32
          %dma_start3A_29 = tpu.memref_slice %arg4[%add3A_9, %dma_start3A, %dma_start3A_28] : memref<1000x60x768xf32, #tpu.memory_space<hbm>> -> memref<1x60x768xf32, #tpu.memory_space<hbm>>
          %dma_start3A_30 = tpu.memref_squeeze %dma_start3A_29 : memref<1x60x768xf32, #tpu.memory_space<hbm>> -> memref<60x768xf32, #tpu.memory_space<hbm>>
          %dma_start3A_31 = arith.constant 0 : i32
          %dma_start3A_32 = arith.constant 0 : i32
          %dma_start3A_33 = tpu.memref_slice %dma_start3A_30[%dma_start3A_31, %dma_start3A_32] : memref<60x768xf32, #tpu.memory_space<hbm>> -> memref<56x768xf32, #tpu.memory_space<hbm>>
          %dma_start3A_34 = arith.constant 0 : i32
          %dma_start3A_35 = arith.constant 0 : i32
          %dma_start3A_36 = tpu.memref_slice %arg4[%add3A_9, %dma_start3A_34, %dma_start3A_35] : memref<1000x60x768xf32, #tpu.memory_space<hbm>> -> memref<1x60x768xf32, #tpu.memory_space<hbm>>
          %dma_start3A_37 = tpu.memref_squeeze %dma_start3A_36 : memref<1x60x768xf32, #tpu.memory_space<hbm>> -> memref<60x768xf32, #tpu.memory_space<hbm>>
          %dma_start3A_38 = arith.constant 0 : i32
          %dma_start3A_39 = arith.constant 0 : i32
          %dma_start3A_40 = tpu.memref_slice %dma_start3A_37[%dma_start3A_38, %dma_start3A_39] : memref<60x768xf32, #tpu.memory_space<hbm>> -> memref<56x768xf32, #tpu.memory_space<hbm>>
          tpu.enqueue_dma source(%dma_start3A_40 : memref<56x768xf32, #tpu.memory_space<hbm>>) target(%arg12 : memref<56x768xf32, #tpu.memory_space<vmem>>) target_semaphore(%run_scoped3A : memref<!tpu.dma_semaphore, #tpu.memory_space<semaphore_mem>>)
          %dma_wait3A = arith.constant 0 : i32
          %dma_wait3A_41 = arith.constant 0 : i32
          %dma_wait3A_42 = tpu.memref_slice %arg4[%add3A_9, %dma_wait3A, %dma_wait3A_41] : memref<1000x60x768xf32, #tpu.memory_space<hbm>> -> memref<1x60x768xf32, #tpu.memory_space<hbm>>
          %dma_wait3A_43 = tpu.memref_squeeze %dma_wait3A_42 : memref<1x60x768xf32, #tpu.memory_space<hbm>> -> memref<60x768xf32, #tpu.memory_space<hbm>>
          %dma_wait3A_44 = arith.constant 0 : i32
          %dma_wait3A_45 = arith.constant 0 : i32
          %dma_wait3A_46 = tpu.memref_slice %dma_wait3A_43[%dma_wait3A_44, %dma_wait3A_45] : memref<60x768xf32, #tpu.memory_space<hbm>> -> memref<56x768xf32, #tpu.memory_space<hbm>>
          %dma_wait3A_47 = arith.constant 0 : i32
          %dma_wait3A_48 = arith.constant 0 : i32
          %dma_wait3A_49 = tpu.memref_slice %arg4[%add3A_9, %dma_wait3A_47, %dma_wait3A_48] : memref<1000x60x768xf32, #tpu.memory_space<hbm>> -> memref<1x60x768xf32, #tpu.memory_space<hbm>>
          %dma_wait3A_50 = tpu.memref_squeeze %dma_wait3A_49 : memref<1x60x768xf32, #tpu.memory_space<hbm>> -> memref<60x768xf32, #tpu.memory_space<hbm>>
          %dma_wait3A_51 = arith.constant 0 : i32
          %dma_wait3A_52 = arith.constant 0 : i32
          %dma_wait3A_53 = tpu.memref_slice %dma_wait3A_50[%dma_wait3A_51, %dma_wait3A_52] : memref<60x768xf32, #tpu.memory_space<hbm>> -> memref<56x768xf32, #tpu.memory_space<hbm>>
          tpu.wait_dma2 semaphore(%run_scoped3A : memref<!tpu.dma_semaphore, #tpu.memory_space<semaphore_mem>>) src(%dma_wait3A_53 : memref<56x768xf32, #tpu.memory_space<hbm>>) dst(%arg12 : memref<56x768xf32, #tpu.memory_space<vmem>>)
          tpu.yield
        }) : () -> ()
        "tpu.region"() ({
          %run_scoped3A = tpu.sem_alloc : memref<!tpu.dma_semaphore, #tpu.memory_space<semaphore_mem>>
          %dma_start3A = arith.constant 0 : i32
          %dma_start3A_28 = arith.constant 0 : i32
          %dma_start3A_29 = tpu.memref_slice %arg10[%add3A_9, %dma_start3A, %dma_start3A_28] : memref<1000x77x768xf32, #tpu.memory_space<hbm>> -> memref<1x77x768xf32, #tpu.memory_space<hbm>>
          %dma_start3A_30 = tpu.memref_squeeze %dma_start3A_29 : memref<1x77x768xf32, #tpu.memory_space<hbm>> -> memref<77x768xf32, #tpu.memory_space<hbm>>
          %dma_start3A_31 = arith.constant 0 : i32
          %dma_start3A_32 = arith.constant 0 : i32
          %dma_start3A_33 = tpu.memref_slice %dma_start3A_30[%dma_start3A_31, %dma_start3A_32] : memref<77x768xf32, #tpu.memory_space<hbm>> -> memref<77x768xf32, #tpu.memory_space<hbm>>
          tpu.enqueue_indirect_dma source(%arg12 : memref<56x768xf32, #tpu.memory_space<vmem>>) target(%dma_start3A_33 : memref<77x768xf32, #tpu.memory_space<hbm>>) offsets(%arg15 : memref<56xi32, #tpu.memory_space<vmem>>) semaphore(%run_scoped3A : memref<!tpu.dma_semaphore, #tpu.memory_space<semaphore_mem>>)
          %dma_wait3A = arith.constant 0 : i32
          %dma_wait3A_34 = arith.constant 0 : i32
          %dma_wait3A_35 = tpu.memref_slice %arg10[%add3A_9, %dma_wait3A, %dma_wait3A_34] : memref<1000x77x768xf32, #tpu.memory_space<hbm>> -> memref<1x77x768xf32, #tpu.memory_space<hbm>>
          %dma_wait3A_36 = tpu.memref_squeeze %dma_wait3A_35 : memref<1x77x768xf32, #tpu.memory_space<hbm>> -> memref<77x768xf32, #tpu.memory_space<hbm>>
          %dma_wait3A_37 = arith.constant 0 : i32
          %dma_wait3A_38 = arith.constant 0 : i32
          %dma_wait3A_39 = tpu.memref_slice %dma_wait3A_36[%dma_wait3A_37, %dma_wait3A_38] : memref<77x768xf32, #tpu.memory_space<hbm>> -> memref<77x768xf32, #tpu.memory_space<hbm>>
          tpu.wait_indirect_dma semaphore(%run_scoped3A : memref<!tpu.dma_semaphore, #tpu.memory_space<semaphore_mem>>) src(%arg12 : memref<56x768xf32, #tpu.memory_space<vmem>>) dst(%dma_wait3A_39 : memref<77x768xf32, #tpu.memory_space<hbm>>)
          tpu.yield
        }) : () -> ()
        %rem3A = arith.constant 2 : i32
        %rem3A_12 = arith.remsi %add3A_9, %rem3A : i32
        %mul3A_13 = arith.constant 60 : i32
        %mul3A_14 = arith.muli %add3A_9, %mul3A_13 : i32
        %add3A_15 = arith.constant 56 : i32
        %add3A_16 = arith.addi %mul3A_14, %add3A_15 : i32
        %mul3A_17 = arith.constant 4 : i32
        %mul3A_18 = arith.muli %mul3A_17, %rem3A_12 : i32
        %sub3A = arith.subi %add3A_16, %mul3A_18 : i32
        %multiple_of3A = tpu.assume_multiple %sub3A, 8 : i32
        "tpu.region"() ({
          %run_scoped3A = tpu.sem_alloc : memref<!tpu.dma_semaphore, #tpu.memory_space<semaphore_mem>>
          %dma_start3A = arith.constant 0 : i32
          %dma_start3A_28 = tpu.memref_slice %arg5[%multiple_of3A, %dma_start3A] : memref<60000x768xf32, #tpu.memory_space<hbm>> -> memref<8x768xf32, #tpu.memory_space<hbm>>
          %dma_start3A_29 = arith.constant 0 : i32
          %dma_start3A_30 = tpu.memref_slice %arg5[%multiple_of3A, %dma_start3A_29] : memref<60000x768xf32, #tpu.memory_space<hbm>> -> memref<8x768xf32, #tpu.memory_space<hbm>>
          tpu.enqueue_dma source(%dma_start3A_30 : memref<8x768xf32, #tpu.memory_space<hbm>>) target(%arg13 : memref<8x768xf32, #tpu.memory_space<vmem>>) target_semaphore(%run_scoped3A : memref<!tpu.dma_semaphore, #tpu.memory_space<semaphore_mem>>)
          %dma_wait3A = arith.constant 0 : i32
          %dma_wait3A_31 = tpu.memref_slice %arg5[%multiple_of3A, %dma_wait3A] : memref<60000x768xf32, #tpu.memory_space<hbm>> -> memref<8x768xf32, #tpu.memory_space<hbm>>
          %dma_wait3A_32 = arith.constant 0 : i32
          %dma_wait3A_33 = tpu.memref_slice %arg5[%multiple_of3A, %dma_wait3A_32] : memref<60000x768xf32, #tpu.memory_space<hbm>> -> memref<8x768xf32, #tpu.memory_space<hbm>>
          tpu.wait_dma2 semaphore(%run_scoped3A : memref<!tpu.dma_semaphore, #tpu.memory_space<semaphore_mem>>) src(%dma_wait3A_33 : memref<8x768xf32, #tpu.memory_space<hbm>>) dst(%arg13 : memref<8x768xf32, #tpu.memory_space<vmem>>)
          tpu.yield
        }) : () -> ()
        %eq3A = arith.constant 0 : i32
        %eq3A_19 = arith.cmpi eq, %rem3A_12, %eq3A : i32
        %convert_element_type3A_20 = arith.extui %eq3A_19 : i1 to i32
        %cond3A_21 = arith.constant 0 : i32
        %cond3A_22 = arith.cmpi ne, %convert_element_type3A_20, %cond3A_21 : i32
        scf.if %cond3A_22 {
          "tpu.region"() ({
            %run_scoped3A = tpu.sem_alloc : memref<!tpu.dma_semaphore, #tpu.memory_space<semaphore_mem>>
            %dma_start3A = arith.constant 0 : i32
            %dma_start3A_28 = arith.constant 0 : i32
            %dma_start3A_29 = tpu.memref_slice %arg10[%add3A_9, %dma_start3A, %dma_start3A_28] : memref<1000x77x768xf32, #tpu.memory_space<hbm>> -> memref<1x77x768xf32, #tpu.memory_space<hbm>>
            %dma_start3A_30 = tpu.memref_squeeze %dma_start3A_29 : memref<1x77x768xf32, #tpu.memory_space<hbm>> -> memref<77x768xf32, #tpu.memory_space<hbm>>
            %dma_start3A_31 = arith.constant 0 : i32
            %dma_start3A_32 = arith.constant 0 : i32
            %dma_start3A_33 = tpu.memref_slice %dma_start3A_30[%dma_start3A_31, %dma_start3A_32] : memref<77x768xf32, #tpu.memory_space<hbm>> -> memref<77x768xf32, #tpu.memory_space<hbm>>
            tpu.enqueue_indirect_dma source(%arg13 : memref<8x768xf32, #tpu.memory_space<vmem>>) target(%dma_start3A_33 : memref<77x768xf32, #tpu.memory_space<hbm>>) offsets(%arg16 : memref<8xi32, #tpu.memory_space<vmem>>) semaphore(%run_scoped3A : memref<!tpu.dma_semaphore, #tpu.memory_space<semaphore_mem>>)
            %dma_wait3A = arith.constant 0 : i32
            %dma_wait3A_34 = arith.constant 0 : i32
            %dma_wait3A_35 = tpu.memref_slice %arg10[%add3A_9, %dma_wait3A, %dma_wait3A_34] : memref<1000x77x768xf32, #tpu.memory_space<hbm>> -> memref<1x77x768xf32, #tpu.memory_space<hbm>>
            %dma_wait3A_36 = tpu.memref_squeeze %dma_wait3A_35 : memref<1x77x768xf32, #tpu.memory_space<hbm>> -> memref<77x768xf32, #tpu.memory_space<hbm>>
            %dma_wait3A_37 = arith.constant 0 : i32
            %dma_wait3A_38 = arith.constant 0 : i32
            %dma_wait3A_39 = tpu.memref_slice %dma_wait3A_36[%dma_wait3A_37, %dma_wait3A_38] : memref<77x768xf32, #tpu.memory_space<hbm>> -> memref<77x768xf32, #tpu.memory_space<hbm>>
            tpu.wait_indirect_dma semaphore(%run_scoped3A : memref<!tpu.dma_semaphore, #tpu.memory_space<semaphore_mem>>) src(%arg13 : memref<8x768xf32, #tpu.memory_space<vmem>>) dst(%dma_wait3A_39 : memref<77x768xf32, #tpu.memory_space<hbm>>)
            tpu.yield
          }) : () -> ()
        } else {
        }
        %eq3A_23 = arith.constant 1 : i32
        %eq3A_24 = arith.cmpi eq, %rem3A_12, %eq3A_23 : i32
        %convert_element_type3A_25 = arith.extui %eq3A_24 : i1 to i32
        %cond3A_26 = arith.constant 0 : i32
        %cond3A_27 = arith.cmpi ne, %convert_element_type3A_25, %cond3A_26 : i32
        scf.if %cond3A_27 {
          "tpu.region"() ({
            %run_scoped3A = tpu.sem_alloc : memref<!tpu.dma_semaphore, #tpu.memory_space<semaphore_mem>>
            %dma_start3A = arith.constant 0 : i32
            %dma_start3A_28 = arith.constant 0 : i32
            %dma_start3A_29 = tpu.memref_slice %arg10[%add3A_9, %dma_start3A, %dma_start3A_28] : memref<1000x77x768xf32, #tpu.memory_space<hbm>> -> memref<1x77x768xf32, #tpu.memory_space<hbm>>
            %dma_start3A_30 = tpu.memref_squeeze %dma_start3A_29 : memref<1x77x768xf32, #tpu.memory_space<hbm>> -> memref<77x768xf32, #tpu.memory_space<hbm>>
            %dma_start3A_31 = arith.constant 0 : i32
            %dma_start3A_32 = arith.constant 0 : i32
            %dma_start3A_33 = tpu.memref_slice %dma_start3A_30[%dma_start3A_31, %dma_start3A_32] : memref<77x768xf32, #tpu.memory_space<hbm>> -> memref<77x768xf32, #tpu.memory_space<hbm>>
            tpu.enqueue_indirect_dma source(%arg13 : memref<8x768xf32, #tpu.memory_space<vmem>>) target(%dma_start3A_33 : memref<77x768xf32, #tpu.memory_space<hbm>>) offsets(%arg17 : memref<8xi32, #tpu.memory_space<vmem>>) semaphore(%run_scoped3A : memref<!tpu.dma_semaphore, #tpu.memory_space<semaphore_mem>>)
            %dma_wait3A = arith.constant 0 : i32
            %dma_wait3A_34 = arith.constant 0 : i32
            %dma_wait3A_35 = tpu.memref_slice %arg10[%add3A_9, %dma_wait3A, %dma_wait3A_34] : memref<1000x77x768xf32, #tpu.memory_space<hbm>> -> memref<1x77x768xf32, #tpu.memory_space<hbm>>
            %dma_wait3A_36 = tpu.memref_squeeze %dma_wait3A_35 : memref<1x77x768xf32, #tpu.memory_space<hbm>> -> memref<77x768xf32, #tpu.memory_space<hbm>>
            %dma_wait3A_37 = arith.constant 0 : i32
            %dma_wait3A_38 = arith.constant 0 : i32
            %dma_wait3A_39 = tpu.memref_slice %dma_wait3A_36[%dma_wait3A_37, %dma_wait3A_38] : memref<77x768xf32, #tpu.memory_space<hbm>> -> memref<77x768xf32, #tpu.memory_space<hbm>>
            tpu.wait_indirect_dma semaphore(%run_scoped3A : memref<!tpu.dma_semaphore, #tpu.memory_space<semaphore_mem>>) src(%arg13 : memref<8x768xf32, #tpu.memory_space<vmem>>) dst(%dma_wait3A_39 : memref<77x768xf32, #tpu.memory_space<hbm>>)
            tpu.yield
          }) : () -> ()
        } else {
        }
        "tpu.region"() ({
          %run_scoped3A = tpu.sem_alloc : memref<!tpu.dma_semaphore, #tpu.memory_space<semaphore_mem>>
          %dma_start3A = arith.constant 0 : i32
          %dma_start3A_28 = arith.constant 0 : i32
          %dma_start3A_29 = tpu.memref_slice %arg10[%add3A_9, %dma_start3A, %dma_start3A_28] : memref<1000x77x768xf32, #tpu.memory_space<hbm>> -> memref<1x77x768xf32, #tpu.memory_space<hbm>>
          %dma_start3A_30 = tpu.memref_squeeze %dma_start3A_29 : memref<1x77x768xf32, #tpu.memory_space<hbm>> -> memref<77x768xf32, #tpu.memory_space<hbm>>
          %dma_start3A_31 = arith.constant 0 : i32
          %dma_start3A_32 = arith.constant 0 : i32
          %dma_start3A_33 = tpu.memref_slice %dma_start3A_30[%dma_start3A_31, %dma_start3A_32] : memref<77x768xf32, #tpu.memory_space<hbm>> -> memref<77x768xf32, #tpu.memory_space<hbm>>
          tpu.enqueue_indirect_dma source(%arg11 : memref<16x768xf32, #tpu.memory_space<vmem>>) target(%dma_start3A_33 : memref<77x768xf32, #tpu.memory_space<hbm>>) offsets(%arg14 : memref<16xi32, #tpu.memory_space<vmem>>) semaphore(%run_scoped3A : memref<!tpu.dma_semaphore, #tpu.memory_space<semaphore_mem>>)
          %dma_wait3A = arith.constant 0 : i32
          %dma_wait3A_34 = arith.constant 0 : i32
          %dma_wait3A_35 = tpu.memref_slice %arg10[%add3A_9, %dma_wait3A, %dma_wait3A_34] : memref<1000x77x768xf32, #tpu.memory_space<hbm>> -> memref<1x77x768xf32, #tpu.memory_space<hbm>>
          %dma_wait3A_36 = tpu.memref_squeeze %dma_wait3A_35 : memref<1x77x768xf32, #tpu.memory_space<hbm>> -> memref<77x768xf32, #tpu.memory_space<hbm>>
          %dma_wait3A_37 = arith.constant 0 : i32
          %dma_wait3A_38 = arith.constant 0 : i32
          %dma_wait3A_39 = tpu.memref_slice %dma_wait3A_36[%dma_wait3A_37, %dma_wait3A_38] : memref<77x768xf32, #tpu.memory_space<hbm>> -> memref<77x768xf32, #tpu.memory_space<hbm>>
          tpu.wait_indirect_dma semaphore(%run_scoped3A : memref<!tpu.dma_semaphore, #tpu.memory_space<semaphore_mem>>) src(%arg11 : memref<16x768xf32, #tpu.memory_space<vmem>>) dst(%dma_wait3A_39 : memref<77x768xf32, #tpu.memory_space<hbm>>)
          tpu.yield
        }) : () -> ()
        "tpu.region"() ({
          %run_scoped3A = tpu.sem_alloc : memref<!tpu.dma_semaphore, #tpu.memory_space<semaphore_mem>>
          %dma_start3A = arith.constant 0 : i32
          %dma_start3A_28 = arith.constant 0 : i32
          %dma_start3A_29 = tpu.memref_slice %arg10[%add3A_9, %dma_start3A, %dma_start3A_28] : memref<1000x77x768xf32, #tpu.memory_space<hbm>> -> memref<1x77x768xf32, #tpu.memory_space<hbm>>
          %dma_start3A_30 = tpu.memref_squeeze %dma_start3A_29 : memref<1x77x768xf32, #tpu.memory_space<hbm>> -> memref<77x768xf32, #tpu.memory_space<hbm>>
          %dma_start3A_31 = arith.constant 0 : i32
          %dma_start3A_32 = arith.constant 0 : i32
          %dma_start3A_33 = tpu.memref_slice %dma_start3A_30[%dma_start3A_31, %dma_start3A_32] : memref<77x768xf32, #tpu.memory_space<hbm>> -> memref<1x768xf32, #tpu.memory_space<hbm>>
          %dma_start3A_34 = arith.constant 0 : i32
          %dma_start3A_35 = arith.constant 0 : i32
          %dma_start3A_36 = tpu.memref_slice %arg3[%add3A_9, %dma_start3A_34, %dma_start3A_35] : memref<1000x1x768xf32, #tpu.memory_space<hbm>> -> memref<1x1x768xf32, #tpu.memory_space<hbm>>
          %dma_start3A_37 = tpu.memref_squeeze %dma_start3A_36 : memref<1x1x768xf32, #tpu.memory_space<hbm>> -> memref<1x768xf32, #tpu.memory_space<hbm>>
          tpu.enqueue_dma source(%dma_start3A_37 : memref<1x768xf32, #tpu.memory_space<hbm>>) target(%dma_start3A_33 : memref<1x768xf32, #tpu.memory_space<hbm>>) target_semaphore(%run_scoped3A : memref<!tpu.dma_semaphore, #tpu.memory_space<semaphore_mem>>)
          %dma_wait3A = arith.constant 0 : i32
          %dma_wait3A_38 = arith.constant 0 : i32
          %dma_wait3A_39 = tpu.memref_slice %arg10[%add3A_9, %dma_wait3A, %dma_wait3A_38] : memref<1000x77x768xf32, #tpu.memory_space<hbm>> -> memref<1x77x768xf32, #tpu.memory_space<hbm>>
          %dma_wait3A_40 = tpu.memref_squeeze %dma_wait3A_39 : memref<1x77x768xf32, #tpu.memory_space<hbm>> -> memref<77x768xf32, #tpu.memory_space<hbm>>
          %dma_wait3A_41 = arith.constant 0 : i32
          %dma_wait3A_42 = arith.constant 0 : i32
          %dma_wait3A_43 = tpu.memref_slice %dma_wait3A_40[%dma_wait3A_41, %dma_wait3A_42] : memref<77x768xf32, #tpu.memory_space<hbm>> -> memref<1x768xf32, #tpu.memory_space<hbm>>
          %dma_wait3A_44 = arith.constant 0 : i32
          %dma_wait3A_45 = arith.constant 0 : i32
          %dma_wait3A_46 = tpu.memref_slice %arg3[%add3A_9, %dma_wait3A_44, %dma_wait3A_45] : memref<1000x1x768xf32, #tpu.memory_space<hbm>> -> memref<1x1x768xf32, #tpu.memory_space<hbm>>
          %dma_wait3A_47 = tpu.memref_squeeze %dma_wait3A_46 : memref<1x1x768xf32, #tpu.memory_space<hbm>> -> memref<1x768xf32, #tpu.memory_space<hbm>>
          tpu.wait_dma2 semaphore(%run_scoped3A : memref<!tpu.dma_semaphore, #tpu.memory_space<semaphore_mem>>) src(%dma_wait3A_47 : memref<1x768xf32, #tpu.memory_space<hbm>>) dst(%dma_wait3A_43 : memref<1x768xf32, #tpu.memory_space<hbm>>)
          tpu.yield
        }) : () -> ()
      } else {
      }
    }
    %scan3A_5 = arith.constant 32 : i32
    return
  }
}

</mosaic_0001>

<sc_bundles>
// kernel: kernel.3.cloned.1.call-start
scs
__scs_entry_jumppad:
0x0: {  	(pc) =	sbr.rel $0x88, $3  }
0x1: {  	(tag) =	ssettag $0x0;
	lr =	simm.s32 $0x1  }
0x2: {  	[smem:$0x3F9E] =	sst lr;
	_ =	strace $0xD0000000  }
0x3: {  	_ = 	snop  }
0x4: {  	_ = 	snop  }
0x5: {  	_ = 	snop  }
0x6: {  	_ = 	snop  }
0x7: {  	_ = 	snop  }
__scs_overlays_trampoline_lowered:
0x8: {  	[smem:$0x3FAD] =	sst s0  }
0x9: {  	[smem:$0x3FAE] =	sst s1  }
0xa: {  	[smem:$0x3FAF] =	sst s2  }
0xb: {  	[smem:$0x3FB0] =	sst s3  }
0xc: {  	[smem:$0x3FB1] =	sst s4  }
0xd: {  	[smem:$0x3FB2] =	sst s5  }
0xe: {  	[smem:$0x3FB3] =	sst s6  }
0xf: {  	[smem:$0x3FB4] =	sst s7  }
0x10: {  	[smem:$0x3FB5] =	sst s8  }
0x11: {  	[smem:$0x3FB6] =	sst s9;
	s0 =	simm.s32 @!p0 $0x0  }
0x12: {  	s1 =	sld [smem:$0x3F9C];
	s0 =	simm.s32 @p0 $0x1  }
0x13: {  	[smem:$0x3FB7] =	sst s0;
	s0 =	simm.s32 @!p1 $0x0  }
0x14: {  	s2 =	sld [smem:$0x3F9B];
	s0 =	simm.s32 @p1 $0x1  }
0x15: {  	[smem:$0x3FB8] =	sst s0;
	s0 =	simm.s32 @!p2 $0x0  }
0x16: {  	s3 =	sld [smem:$0x3FDB];
	s0 =	simm.s32 @p2 $0x1  }
0x17: {  	s4 =	simm.s32 $0x1BF5;
	[smem:$0x3FBA] =	sst s0  }
0x18: {  	s0 =	sld [smem:$0x3F9D];
	_ =	swait.ge [sflag:s4], $0x0  }
0x19: {  	s7 =	sld [smem:$0x3F9E]  }
0x1a: {  	s8 =	sadd.s32 $0xFFFFE003, lr  }
0x1b: {  	s9 =	sadd.s32 $0xFFFFFEF7, lr;
	s5 =	simm.s32 $0xFFFFFFFF;
	p2 =	slt.u32 s8, $0xFFFFF086  }
0x1c: {  	p1 =	slt.u32 s9, $0xF7A;
	s5 =	simm.s32 @!p2 $0x0  }
0x1d: {  	s5 =	simm.s32 @p1 $0x1;
	p0 =	seq.s32 s7, s2  }
0x1e: {  	s7 =	smul.u32 @!p0 $0xF7A, s2;
	p2 =	seq.s32 @!p0 s5, $0x0  }
0x1f: {  	s9 =	smul.u32 $0xF7A, s1;
	s8 =	simm.s32 @!p0 $0x1BF5;
	p2 =	por !p2, p0  }
0x20: {  	[sflag:s8] =	ssyncset.s32 @!p0 $0xFFFFF086;
	s6 =	sadd.s32 @!p0 s3, s7;
	s7 =	simm.s32 @!p0 $0x108  }
0x21: {  	s3 =	sadd.s32 s3, s9;
	s6 =	sadd.s32 @!p0 $0x88, s6;
	s7 =	simm.s32 @p2 $0x1082  }
0x22: {  	[simem:s7], [sflag:s8] =	dma.local @!p0 [hbm:s6], $0xF7A  }
0x23: {  	s9 =	sor.u32 $0xD0000000, s2;
	s6 =	simm.s32 $0x108;
	_ =	swait.ge @!p0 [sflag:s8], $0x0  }
0x24: {  	s3 =	sadd.s32 $0x88, s3;
	s6 =	simm.s32 @!p1 $0x1082;
	[sflag:s4] =	ssyncset.s32 $0xFFFFF086  }
0x25: {  	[simem:s6], [sflag:s4] =	dma.local [hbm:s3], $0xF7A  }
0x26: {  	[smem:$0x3F9E] =	sst s1;
	(tag) =	ssettag s2;
	_ =	strace s9  }
0x27: {  	s1 =	sld [smem:$0x3FAE]  }
0x28: {  	s2 =	sld [smem:$0x3FAF]  }
0x29: {  	s4 =	sld [smem:$0x3FB1]  }
0x2a: {  	p0 =	seq.s32 s5, $0x0;
	s5 =	sld [smem:$0x3FB2]  }
0x2b: {  	s6 =	sld [smem:$0x3FB3]  }
0x2c: {  	s7 =	sld [smem:$0x3FB4]  }
0x2d: {  	s3 =	simm.s32 $0x108;
	s8 =	sld [smem:$0x3FB5]  }
0x2e: {  	s3 =	simm.s32 @!p0 $0x1082;
	s9 =	sld [smem:$0x3FB6]  }
0x2f: {  	lr =	sadd.s32 s0, s3;
	s0 =	sld [smem:$0x3FAD]  }
0x30: {  	s3 =	sld [smem:$0x3FB0]  }
0x31: {  	[smem:$0x3FB9] =	sst s10  }
0x32: {  	s10 =	sld [smem:$0x3FB7];
	_ =	sdelay $0x3  }
0x33: {  	p0 =	seq.s32 s10, $0x1;
	s10 =	sld [smem:$0x3FB9];
	_ =	sdelay $0x3  }
0x34: {  	[smem:$0x3FB9] =	sst s10  }
0x35: {  	s10 =	sld [smem:$0x3FB8];
	_ =	sdelay $0x3  }
0x36: {  	p1 =	seq.s32 s10, $0x1;
	s10 =	sld [smem:$0x3FB9];
	_ =	sdelay $0x3  }
0x37: {  	[smem:$0x3FB9] =	sst s10  }
0x38: {  	s10 =	sld [smem:$0x3FBA]  }
0x39: {  	_ = 	snop;
	(pc) =	sbr.ind lr, $3  }
0x3a: {  	_ = 	snop  }
0x3b: {  	_ = 	snop  }
0x3c: {  	p2 =	seq.s32 s10, $0x1;
	s10 =	sld [smem:$0x3FB9]  }
0x3d: {  	_ =	shalt  }
0x3e: {  	_ =	shalt  }
0x3f: {  	_ =	shalt  }
0x40: {  	_ =	shalt  }
0x41: {  	_ =	shalt  }
0x42: {  	_ =	shalt  }
0x43: {  	_ =	shalt  }
0x44: {  	_ =	shalt  }
0x45: {  	_ =	shalt  }
0x46: {  	_ =	shalt  }
0x47: {  	_ =	shalt  }
0x48: {  	_ =	shalt  }
0x49: {  	_ =	shalt  }
0x4a: {  	_ =	shalt  }
0x4b: {  	_ =	shalt  }
0x4c: {  	_ =	shalt  }
0x4d: {  	_ =	shalt  }
0x4e: {  	_ =	shalt  }
0x4f: {  	_ =	shalt  }
0x50: {  	_ =	shalt  }
0x51: {  	_ =	shalt  }
0x52: {  	_ =	shalt  }
0x53: {  	_ =	shalt  }
0x54: {  	_ =	shalt  }
0x55: {  	_ =	shalt  }
0x56: {  	_ =	shalt  }
0x57: {  	_ =	shalt  }
0x58: {  	_ =	shalt  }
0x59: {  	_ =	shalt  }
0x5a: {  	_ =	shalt  }
0x5b: {  	_ =	shalt  }
0x5c: {  	_ =	shalt  }
0x5d: {  	_ =	shalt  }
0x5e: {  	_ =	shalt  }
0x5f: {  	_ =	shalt  }
0x60: {  	_ =	shalt  }
0x61: {  	_ =	shalt  }
0x62: {  	_ =	shalt  }
0x63: {  	_ =	shalt  }
0x64: {  	_ =	shalt  }
0x65: {  	_ =	shalt  }
0x66: {  	_ =	shalt  }
0x67: {  	_ =	shalt  }
0x68: {  	_ =	shalt  }
0x69: {  	_ =	shalt  }
0x6a: {  	_ =	shalt  }
0x6b: {  	_ =	shalt  }
0x6c: {  	_ =	shalt  }
0x6d: {  	_ =	shalt  }
0x6e: {  	_ =	shalt  }
0x6f: {  	_ =	shalt  }
0x70: {  	_ =	shalt  }
0x71: {  	_ =	shalt  }
0x72: {  	_ =	shalt  }
0x73: {  	_ =	shalt  }
0x74: {  	_ =	shalt  }
0x75: {  	_ =	shalt  }
0x76: {  	_ =	shalt  }
0x77: {  	_ =	shalt  }
0x78: {  	_ =	shalt  }
0x79: {  	_ =	shalt  }
0x7a: {  	_ =	shalt  }
0x7b: {  	_ =	shalt  }
0x7c: {  	_ =	shalt  }
0x7d: {  	_ =	shalt  }
0x7e: {  	_ =	shalt  }
0x7f: {  	_ =	shalt  }
0x80: {  	_ =	shalt  }
0x81: {  	_ =	shalt  }
0x82: {  	_ =	shalt  }
0x83: {  	_ =	shalt  }
0x84: {  	_ =	shalt  }
0x85: {  	_ =	shalt  }
0x86: {  	_ =	shalt  }
0x87: {  	_ =	shalt  }
.Lfunc_end0:
.L_simem_size_0:
called_computation_lowered:
.L_overlay_start_0:
0x88: {  	s2 =	sld [smem:$0x3FD9]  }
0x89: {  	s3 =	sld [smem:$0x3FFE];
	_ =	sdelay $0x1  }
0x8a: {  	s1 =	srdreg.scid  }
0x8b: {  	s0 =	sand.u32 $0x1, s1  }
0x8c: {  	s17 =	sshll.u32 s0, $0xA;
	s2 =	sadd.s32 s3, s2  }
0x8d: {  	s2 =	sadd.s32 s2, s17  }
0x8e: {  	[smem:$0x3FC5] =	sst s2  }
0x8f: {  	_ = 	snop  }
0x90: {  	s2 =	sld [smem:$0x3FC9]  }
0x91: {  	s18 =	sld [smem:$0x3FC8]  }
0x92: {  	s4 =	sld [smem:$0x3FD0];
	(tm) =	ssettm $0x1  }
0x93: {  	s5 =	sld [smem:$0x3FFB];
	_ =	sdelay $0x3  }
0x94: {  	_ =	strace s5  }
0x95: {  	s5 =	sld [smem:$0x3FFC];
	_ =	sdelay $0x3  }
0x96: {  	_ =	strace s5  }
0x97: {  	s5 =	sld [smem:$0x3FFD];
	_ =	sdelay $0x3  }
0x98: {  	_ =	strace s5  }
0x99: {  	_ =	strace $0x8FFFFFFF  }
0x9a: {  	s19 =	sld [smem:$0x3FDB];
	_ =	sdelay $0x1  }
0x9b: {  	s6 =	simm.s32 $_scs_section_size  }
0x9c: {  	s7 =	simm.s32 $_size__tile_overlayer_lowered;
	s8 =	simm.s32 $_tile_overlayer_lowered  }
0x9d: {  	s22 =	simm.s32 $0x1BFF;
	s21 =	sshll.u32 s8, $0x1;
	s5 =	sadd.s32 s6, s19  }
0x9e: {  	s9 =	simm.s32 $0x0;
	s20 =	sshll.u32 s7, $0x1;
	s7 =	sadd.s32 s21, s5  }
0x9f: {  	[timem:s9], [sflag:s22] =	dma.local [hbm:s7], s20  }
0xa0: {  	_ =	swait.ge [sflag:s22], s20  }
0xa1: {  	s6 =	ssub.s32 $0x0, s20;
	[sflag:s22] =	ssyncset.done $0x0  }
0xa2: {  	[sflag:s22] =	ssyncadd.s32 s6;
	_ =	sdelay $0x1  }
0xa3: {  	s23 =	simm.s32 $0x1B8B  }
0xa4: {  	_ =	swait.ge [sflag:s23], $0x1  }
0xa5: {  	[sflag:s23] =	ssyncset.done $0x0  }
0xa6: {  	s25 =	simm.s32 $0x1B8E;
	s24 =	sld [smem:$0x3FFE];
	[sflag:s23] =	ssyncadd.s32 $0xFFFFFFFF  }
0xa7: {  	s26 =	simm.s32 $execute0_lowered;
	[smem:$0x3FD2] =	sst s25  }
0xa8: {  	s7 =	sshll.u32 s26, $0x1;
	_ =	strace $0x80000046;
	[dreg:$0x1] =	wrdreg $0xFFFFFFFF  }
0xa9: {  	s28 =	simm.s32 $_size_execute0_lowered;
	s5 =	sadd.s32 s5, s7;
	[dreg:$0x0] =	wrdreg $0x0  }
0xaa: {  	s7 =	sshll.u32 s28, $0x1;
	[dreg:$0x2] =	wrdreg s5  }
0xab: {  	[dreg:$0x3] =	wrdreg s7  }
0xac: {  	[dreg:$0x4] =	wrdreg $0xC0  }
0xad: {  	_ =	task [dreg:s9], $0x5FFFF  }
0xae: {  	[dreg:$0x1] =	wrdreg $0xFFFFFFFF  }
0xaf: {  	[dreg:$0x0] =	wrdreg $0x60  }
0xb0: {  	[dreg:$0x2] =	wrdreg s2  }
0xb1: {  	[dreg:$0x3] =	wrdreg s18  }
0xb2: {  	[dreg:$0x4] =	wrdreg s4  }
0xb3: {  	[dreg:$0x5] =	wrdreg s24  }
0xb4: {  	[dreg:$0x6] =	wrdreg $0x9  }
0xb5: {  	_ =	task.clear_ibuf [dreg:s9], $0x7FFFF;
	_ =	strace $0x90000046  }
0xb6: {  	s29 =	simm.s32 $0x9;
	_ =	strace $0x80000048  }
0xb7: {  	_ =	swait.ge [sflag:s29], $0x1  }
0xb8: {  	[sflag:s29] =	ssyncadd.s32 $0xFFFFFFFF  }
0xb9: {  	_ =	strace $0x90000048  }
0xba: {  	_ =	sfence  }
0xbb: {  	s30 =	sld [smem:$0x0];
	_ =	sdelay $0x2  }
0xbc: {  	s31 =	sshll.u32 s1, $0xD;
	s1 =	sshrl.u32 s1, $0x2  }
0xbd: {  	s3 =	sand.u32 $0x4000, s31;
	s1 =	sadd.s32 s1, s30  }
0xbe: {  	s0 =	sor.u32 s3, s0;
	s1 =	sshll.u32 s1, $0x11  }
0xbf: {  	s0 =	sor.u32 s1, s0  }
0xc0: {  	s0 =	sadd.s32 $0x8F2B, s0  }
0xc1: {  	[sflag:s0] =	ssyncadd.remote.s32 $0x1  }
0xc2: {  	_ =	sfence.sel $0xFFFF  }
0xc3: {  	[dreg:$0x0] =	wrdreg $0xFFFFFFFF;
	(pc) =	sbr.abs _section_cstart, $3  }
0xc4: {  	[dreg:$0x1] =	wrdreg $0xFFFFFFFF  }
0xc5: {  	_ =	task.clear_ibuf [dreg:s9], $0x2FFFF;
	_ =	strace $0x9FFFFFFF  }
0xc6: {  	(tm) =	ssettm $0x7FFFFFFF  }
0xc7: {  	_ =	shalt  }
tec
execute0_lowered:
.L_overlay_start_1:
0x0: {  	(tag) =	ssettag $0x1  }
0x1: {  	s0 =	rddreg [dreg:$0x1]  }
0x2: {  	s1 =	rddreg [dreg:$0x2]  }
0x3: {  	s2 =	rddreg [dreg:$0x3];
	s3 =	simm.s32 $0x0;
	s14 =	stileid.u32  }
0x4: {  	s6 =	srdreg.scid;
	s16 =	simm.s32 $0x1;
	s28 =	simm.s32 $0x80  }
0x5: {  	s29 =	simm.s32 $0x10;
	[smem:$0x7FF] =	sst s3;
	s5 =	smul.u32 $0x78000, s14  }
0x6: {  	s4 =	sadd.s32 $0xC00, s2;
	s7 =	sadd.s32 $0x600, s2;
	s20 =	smul.u32 $0x60000, s14  }
0x7: {  	s6 =	sand.u32 $0x1, s6;
	s8 =	sadd.s32 $0x800, s2;
	s11 =	smul.u32 $0xF00, s14  }
0x8: {  	s25 =	smul.u32 $0x1800, s14;
	_ =	strace $0x80000047;
	[dreg:$0x5] =	wrdreg s7  }
0x9: {  	s21 =	sadd.s32 $0x57F000, s2;
	[dreg:$0x6] =	wrdreg s8;
	s22 =	smul.u32 $0x30000, s6  }
0xa: {  	s9 =	sadd.s32 $0xA00, s2;
	[dreg:$0x7] =	wrdreg s21;
	s10 =	smul.u32 $0x3C000, s6  }
0xb: {  	[dreg:$0x8] =	wrdreg s9;
	s23 =	ssub.s32 $0x2, s6;
	s12 =	smul.u32 $0x780, s6  }
0xc: {  	s9 =	sshll.u32 s14, $0x6;
	s13 =	sshll.u32 s6, $0x5;
	s26 =	smul.u32 $0xC00, s6  }
0xd: {  	s21 =	simm.s32 $0x3000;
	s6 =	simm.s32 $0xB800;
	s7 =	simm.s32 $0xC000  }
0xe: {  	s8 =	simm.s32 $0xC800;
	s14 =	simm.s32 $0x800;
	s2 =	sadd.s32 s5, s2  }
0xf: {  	s24 =	sshrl.u32 s23, $0x1;
	s1 =	sadd.s32 s20, s1;
	s0 =	sadd.s32 s25, s0  }
0x10: {  	s15 =	sor.u32 s13, s9;
	s20 =	simm.s32 $0xA800;
	s13 =	simm.s32 $0xE800  }
0x11: {  	s25 =	simm.s32 $0x2000;
	s5 =	ssub.s32 s23, s24;
	s1 =	sadd.s32 s22, s1  }
0x12: {  	s2 =	sadd.s32 s10, s2;
	s30 =	sadd.s32 s12, s11;
	s0 =	sadd.s32 s26, s0  }
0x13: {  	s22 =	simm.s32 $0x2;
	s10 =	simm.s32 $0xD000;
	s11 =	simm.s32 $0xD800  }
.Ltmp0:
0x14: {  	s12 =	simm.s32 $0xE000;
	[dreg:$0xa] =	wrdreg s1;
	(pc) =	sbr.rel .LBB2_1-.Ltmp0, $4  }
0x15: {  	s23 =	simm.s32 $0x1000;
	s5 =	smax.u32 s5, $0x1;
	[dreg:$0xd] =	wrdreg s0  }
0x16: {  	v2 =	vlaneseq.u32;
	s24 =	simm.s32 $0x1800;
	s2 =	sadd.s32 $0x57F200, s2;
	[dreg:$0x9] =	wrdreg s5  }
0x17: {  	vm0 =	vmmov $0xffff;
	v1 =	vshrl.u32 v2, $0x3;
	s26 =	simm.s32 $0x2800;
	s31 =	sor.u32 $0x38, s30;
	[dreg:$0xb] =	wrdreg s2  }
0x18: {  	v0 =	vand.u32 $0x7, v2;
	v2 =	vor.u32 $0x8, v2;
	v1 =	vmul.u32 $0x8, v1;
	s1 =	simm.s32 $0x0;
	[dreg:$0xc] =	wrdreg s31;
	s5 =	simm.s32 $0xB000  }
.LBB2_5:
0x19: {  	s1 =	rddreg [dreg:$0xe]  }
0x1a: {  	s0 =	rddreg [dreg:$0x9];
	s1 =	sadd.s32 $0x1, s1  }
0x1b: {  	p0 =	sne.s32 s1, s0  }
.Ltmp1:
0x1c: {  	_ = 	snop;
	(pc) =	sbr.rel @!p0 .LBB2_6-.Ltmp1, $1  }
0x1d: {  	_ =	sdelay $0x3  }
.LBB2_1:
0x1e: {  	[dreg:$0xe] =	wrdreg s1  }
0x1f: {  	s0 =	rddreg [dreg:$0x0]  }
0x20: {  	[tilespmem:s3], [sflag:$0x1] =	stream.linear.gather [hbm4b:s0+s3], $0x3000, $0x38;
	[tilespmem:$0xF200] =	vst v63  }
0x21: {  	_ =	swait.ge [sflag:s16], $0x3000  }
0x22: {  	[sflag:s16] =	ssyncset.done $0x0  }
0x23: {  	s17 =	simm.s32 $0xF000;
	s2 =	rddreg [dreg:$0x5];
	[sflag:s16] =	ssyncadd.s32 $0xFFFFD000  }
0x24: {  	[tilespmem:s17], [sflag:$0x1] =	stream.linear.gather [hbm4b:s2+s3], $0x80, $0x38;
	[tilespmem:$0xF200] =	vst v63  }
0x25: {  	_ =	swait.ge [sflag:s16], $0x80  }
0x26: {  	[sflag:s16] =	ssyncset.done $0x0  }
0x27: {  	s19 =	simm.s32 $0xF080;
	s18 =	rddreg [dreg:$0x6];
	[sflag:s16] =	ssyncadd.s32 $0xFFFFFF80  }
0x28: {  	[tilespmem:s19], [sflag:$0x1] =	stream.linear.gather [hbm4b:s18+s3], $0x80, $0x38;
	[tilespmem:$0xF200] =	vst v63  }
0x29: {  	_ =	swait.ge [sflag:s16], $0x80  }
0x2a: {  	[sflag:s16] =	ssyncset.done $0x0  }
0x2b: {  	s17 =	simm.s32 $0xF100;
	s2 =	rddreg [dreg:$0x7];
	[sflag:s16] =	ssyncadd.s32 $0xFFFFFF80  }
0x2c: {  	[tilespmem:s17], [sflag:$0x1] =	stream.linear.gather [hbm4b:s2+s3], $0x80, $0x38;
	[tilespmem:$0xF200] =	vst v63  }
0x2d: {  	_ =	swait.ge [sflag:s16], $0x80  }
0x2e: {  	[sflag:s16] =	ssyncset.done $0x0  }
0x2f: {  	s19 =	simm.s32 $0xF180;
	s18 =	rddreg [dreg:$0x8];
	[sflag:s16] =	ssyncadd.s32 $0xFFFFFF80  }
0x30: {  	[tilespmem:s19], [sflag:$0x1] =	stream.linear.gather [hbm4b:s18+s3], $0x80, $0x38;
	[tilespmem:$0xF200] =	vst v63  }
.Ltmp2:
0x31: {  	_ =	swait.ge [sflag:s16], $0x80;
	(pc) =	sbr.rel .LBB2_2-.Ltmp2, $4  }
0x32: {  	s31 =	rddreg [dreg:$0xd]  }
0x33: {  	s0 =	rddreg [dreg:$0xc]  }
0x34: {  	p0 =	por $0x0, $0x0;
	[sflag:s16] =	ssyncset.done $0x0;
	s2 =	rddreg [dreg:$0xb]  }
0x35: {  	s1 =	simm.s32 $0x0;
	s30 =	rddreg [dreg:$0xa];
	[sflag:s16] =	ssyncadd.s32 $0xFFFFFF80  }
.LBB2_4:
0x36: {  	s1 =	sadd.s32 $0x1, s1  }
0x37: {  	p1 =	sne.s32 s1, $0x20  }
.Ltmp3:
0x38: {  	_ = 	snop;
	(pc) =	sbr.rel @!p1 .LBB2_5-.Ltmp3, $3  }
0x39: {  	_ =	sdelay $0x1  }
0x3a: {  	s30 =	sadd.s32 $0x1800, s30;
	s2 =	sadd.s32 $0x1E00, s2  }
0x3b: {  	s0 =	sadd.s32 $0x3C, s0;
	p0 =	por !p0, !p0;
	s31 =	sadd.s32 $0x60, s31  }
.LBB2_2:
0x3c: {  	s17 =	sadd.s32 s1, s15  }
0x3d: {  	p1 =	sgt.u32 s17, $0x3E7  }
.Ltmp4:
0x3e: {  	_ = 	snop;
	(pc) =	sbr.rel @p1 .LBB2_4-.Ltmp4, $1  }
0x3f: {  	_ =	sdelay $0x3  }
0x40: {  	[tilespmem:s21], [sflag:$0x2] =	stream.linear.gather [hbm4b:s30+s3], $0xA800, $0x38;
	[tilespmem:$0xF200] =	vst v63  }
0x41: {  	_ =	swait.ge [sflag:s22], $0xA800  }
0x42: {  	[sflag:s22] =	ssyncset.done $0x0  }
0x43: {  	[sflag:s22] =	ssyncadd.s32 $0xFFFF5800  }
0x44: {  	v3 =	vld [tilespmem:$0xF080];
	_ =	sdelay $0x4  }
0x45: {  	v4 =	vshrl.u32 v3, $0x3  }
0x46: {  	v4 =	vmul.u32 $0x30, v4  }
0x47: {  	v3 =	vand.u32 $0x7, v3  }
0x48: {  	v3 =	vor.u32 v3, v4  }
0x49: {  	v4 =	vperm.xlane v3, v0;
	_ =	sdelay $0x1  }
0x4a: {  	v4 =	vadd.s32 v1, v4;
	_ =	sdelay $0x3  }
0x4b: {  	v3 =	vperm.xlane v3, v2  }
0x4c: {  	[hbm4b:s2+s3] =	stream.indirect_vreg.scatter [tilespmem:s21], [sflag:$0x2], $0x80, v4, vm0, $0xb8;
	[tilespmem:$0xF200] =	vst v63  }
0x4d: {  	s17 =	sadd.s32 $0x100, s2;
	s18 =	simm.s32 $0x3800;
	v3 =	vadd.s32 v1, v3  }
0x4e: {  	[hbm4b:s17+s3] =	stream.indirect_vreg.scatter [tilespmem:s18], [sflag:$0x2], $0x80, v4, vm0, $0xb8;
	[tilespmem:$0xF200] =	vst v63  }
0x4f: {  	s19 =	simm.s32 $0x4000;
	s18 =	sadd.s32 $0x200, s2  }
0x50: {  	[hbm4b:s18+s3] =	stream.indirect_vreg.scatter [tilespmem:s19], [sflag:$0x2], $0x80, v4, vm0, $0xb8;
	[tilespmem:$0xF200] =	vst v63  }
0x51: {  	s19 =	simm.s32 $0x4800  }
0x52: {  	[hbm4b:s2+s3] =	stream.indirect_vreg.scatter [tilespmem:s19], [sflag:$0x2], $0x80, v3, vm0, $0xb8;
	[tilespmem:$0xF200] =	vst v63  }
0x53: {  	s19 =	simm.s32 $0x5000  }
0x54: {  	[hbm4b:s17+s3] =	stream.indirect_vreg.scatter [tilespmem:s19], [sflag:$0x2], $0x80, v3, vm0, $0xb8;
	[tilespmem:$0xF200] =	vst v63  }
0x55: {  	s19 =	simm.s32 $0x5800  }
0x56: {  	[hbm4b:s18+s3] =	stream.indirect_vreg.scatter [tilespmem:s19], [sflag:$0x2], $0x80, v3, vm0, $0xb8;
	[tilespmem:$0xF200] =	vst v63  }
0x57: {  	v3 =	vld [tilespmem:$0xF090];
	_ =	sdelay $0x4  }
0x58: {  	v59 =	vshrl.u32 v3, $0x3  }
0x59: {  	v4 =	vmul.u32 $0x30, v59  }
0x5a: {  	v3 =	vand.u32 $0x7, v3  }
0x5b: {  	v3 =	vor.u32 v3, v4  }
0x5c: {  	v4 =	vperm.xlane v3, v0;
	_ =	sdelay $0x1  }
0x5d: {  	v4 =	vadd.s32 v1, v4;
	_ =	sdelay $0x3  }
0x5e: {  	s19 =	simm.s32 $0x6000;
	v3 =	vperm.xlane v3, v2  }
0x5f: {  	[hbm4b:s2+s3] =	stream.indirect_vreg.scatter [tilespmem:s19], [sflag:$0x2], $0x80, v4, vm0, $0xb8;
	[tilespmem:$0xF200] =	vst v63  }
0x60: {  	v3 =	vadd.s32 v1, v3;
	s19 =	simm.s32 $0x6800  }
0x61: {  	[hbm4b:s17+s3] =	stream.indirect_vreg.scatter [tilespmem:s19], [sflag:$0x2], $0x80, v4, vm0, $0xb8;
	[tilespmem:$0xF200] =	vst v63  }
0x62: {  	s19 =	simm.s32 $0x7000  }
0x63: {  	[hbm4b:s18+s3] =	stream.indirect_vreg.scatter [tilespmem:s19], [sflag:$0x2], $0x80, v4, vm0, $0xb8;
	[tilespmem:$0xF200] =	vst v63  }
0x64: {  	s19 =	simm.s32 $0x7800  }
0x65: {  	[hbm4b:s2+s3] =	stream.indirect_vreg.scatter [tilespmem:s19], [sflag:$0x2], $0x80, v3, vm0, $0xb8;
	[tilespmem:$0xF200] =	vst v63  }
0x66: {  	s19 =	simm.s32 $0x8000  }
0x67: {  	[hbm4b:s17+s3] =	stream.indirect_vreg.scatter [tilespmem:s19], [sflag:$0x2], $0x80, v3, vm0, $0xb8;
	[tilespmem:$0xF200] =	vst v63  }
0x68: {  	s19 =	simm.s32 $0x8800  }
0x69: {  	[hbm4b:s18+s3] =	stream.indirect_vreg.scatter [tilespmem:s19], [sflag:$0x2], $0x80, v3, vm0, $0xb8;
	[tilespmem:$0xF200] =	vst v63  }
0x6a: {  	v3 =	vld [tilespmem:$0xF0A0];
	_ =	sdelay $0x4  }
0x6b: {  	v60 =	vshrl.u32 v3, $0x3  }
0x6c: {  	v4 =	vmul.u32 $0x30, v60  }
0x6d: {  	v3 =	vand.u32 $0x7, v3  }
0x6e: {  	v3 =	vor.u32 v3, v4  }
0x6f: {  	v4 =	vperm.xlane v3, v0;
	_ =	sdelay $0x1  }
0x70: {  	v4 =	vadd.s32 v1, v4;
	_ =	sdelay $0x3  }
0x71: {  	s19 =	simm.s32 $0x9000;
	v3 =	vperm.xlane v3, v2  }
0x72: {  	[hbm4b:s2+s3] =	stream.indirect_vreg.scatter [tilespmem:s19], [sflag:$0x2], $0x80, v4, vm0, $0xb8;
	[tilespmem:$0xF200] =	vst v63  }
0x73: {  	v3 =	vadd.s32 v1, v3;
	s19 =	simm.s32 $0x9800  }
0x74: {  	[hbm4b:s17+s3] =	stream.indirect_vreg.scatter [tilespmem:s19], [sflag:$0x2], $0x80, v4, vm0, $0xb8;
	[tilespmem:$0xF200] =	vst v63  }
0x75: {  	s19 =	simm.s32 $0xA000  }
0x76: {  	[hbm4b:s18+s3] =	stream.indirect_vreg.scatter [tilespmem:s19], [sflag:$0x2], $0x80, v4, vm0, $0xb8;
	[tilespmem:$0xF200] =	vst v63  }
0x77: {  	_ = 	snop  }
0x78: {  	[hbm4b:s2+s3] =	stream.indirect_vreg.scatter [tilespmem:s20], [sflag:$0x2], $0x80, v3, vm0, $0xb8;
	[tilespmem:$0xF200] =	vst v63  }
0x79: {  	_ = 	snop  }
0x7a: {  	[hbm4b:s17+s3] =	stream.indirect_vreg.scatter [tilespmem:s5], [sflag:$0x2], $0x80, v3, vm0, $0xb8;
	[tilespmem:$0xF200] =	vst v63  }
0x7b: {  	_ = 	snop  }
0x7c: {  	[hbm4b:s18+s3] =	stream.indirect_vreg.scatter [tilespmem:s6], [sflag:$0x2], $0x80, v3, vm0, $0xb8;
	[tilespmem:$0xF200] =	vst v63  }
0x7d: {  	v3 =	vld.msk [tilespmem:$0xF0B0], $0xff;
	_ =	sdelay $0x4  }
0x7e: {  	v61 =	vshrl.u32 v3, $0x3  }
0x7f: {  	v4 =	vmul.u32 $0x30, v61  }
0x80: {  	v3 =	vand.u32 $0x7, v3  }
0x81: {  	v3 =	vor.u32 v3, v4  }
0x82: {  	v3 =	vperm.xlane v3, v0;
	_ =	sdelay $0x1  }
0x83: {  	v3 =	vadd.s32 v1, v3;
	_ =	sdelay $0x1  }
0x84: {  	s19 =	simm.s32 $0x1  }
0x85: {  	s19 =	simm.s32 @!p0 $0x0  }
0x86: {  	s19 =	sshll.u32 s19, $0x2  }
0x87: {  	[hbm4b:s2+s3] =	stream.indirect_vreg.scatter [tilespmem:s7], [sflag:$0x2], $0x80, v3, vm0, $0xb8;
	[tilespmem:$0xF200] =	vst v63  }
0x88: {  	s19 =	ssub.s32 s0, s19  }
0x89: {  	[hbm4b:s17+s3] =	stream.indirect_vreg.scatter [tilespmem:s8], [sflag:$0x2], $0x80, v3, vm0, $0xb8;
	[tilespmem:$0xF200] =	vst v63  }
0x8a: {  	s19 =	sshrl.u32 s19, $0x3  }
0x8b: {  	[hbm4b:s18+s3] =	stream.indirect_vreg.scatter [tilespmem:s10], [sflag:$0x2], $0x80, v3, vm0, $0xb8;
	[tilespmem:$0xF200] =	vst v63  }
0x8c: {  	s19 =	smul.u32 $0x300, s19;
	_ =	swait.ge [sflag:s22], $0xA800  }
0x8d: {  	[sflag:s22] =	ssyncset.done $0x0  }
0x8e: {  	s19 =	sadd.s32 s4, s19;
	[sflag:s22] =	ssyncadd.s32 $0xFFFF5800  }
0x8f: {  	[tilespmem:s11], [sflag:$0x2] =	stream.linear.gather [hbm4b:s19+s3], $0x1800, $0x38;
	[tilespmem:$0xF200] =	vst v63  }
0x90: {  	s19 =	sand.u32 $0x1, s1;
	_ =	swait.ge [sflag:s22], $0x1800  }
0x91: {  	p1 =	seq.s32 s19, $0x1;
	s19 =	simm.s32 $0xF180;
	[sflag:s22] =	ssyncset.done $0x0  }
0x92: {  	s19 =	simm.s32 @!p1 $0xF100;
	[sflag:s22] =	ssyncadd.s32 $0xFFFFE800  }
0x93: {  	v3 =	vld.msk [tilespmem:s19+$0x0], $0xff;
	_ =	sdelay $0x4  }
0x94: {  	v62 =	vshrl.u32 v3, $0x3  }
0x95: {  	v4 =	vmul.u32 $0x30, v62  }
0x96: {  	v3 =	vand.u32 $0x7, v3  }
0x97: {  	v3 =	vor.u32 v3, v4  }
0x98: {  	v3 =	vperm.xlane v3, v0;
	_ =	sdelay $0x1  }
0x99: {  	v3 =	vadd.s32 v1, v3;
	_ =	sdelay $0x4  }
0x9a: {  	[hbm4b:s2+s3] =	stream.indirect_vreg.scatter [tilespmem:s11], [sflag:$0x2], $0x80, v3, vm0, $0xb8;
	[tilespmem:$0xF200] =	vst v63  }
0x9b: {  	_ = 	snop  }
0x9c: {  	[hbm4b:s17+s3] =	stream.indirect_vreg.scatter [tilespmem:s12], [sflag:$0x2], $0x80, v3, vm0, $0xb8;
	[tilespmem:$0xF200] =	vst v63  }
0x9d: {  	_ = 	snop  }
0x9e: {  	[hbm4b:s18+s3] =	stream.indirect_vreg.scatter [tilespmem:s13], [sflag:$0x2], $0x80, v3, vm0, $0xb8;
	[tilespmem:$0xF200] =	vst v63  }
0x9f: {  	_ =	swait.ge [sflag:s22], $0x1800  }
0xa0: {  	[sflag:s22] =	ssyncset.done $0x0  }
0xa1: {  	[sflag:s22] =	ssyncadd.s32 $0xFFFFE800  }
0xa2: {  	v3 =	vld [tilespmem:$0xF000];
	_ =	sdelay $0x4  }
0xa3: {  	v63 =	vshrl.u32 v3, $0x3  }
0xa4: {  	v4 =	vmul.u32 $0x30, v63  }
0xa5: {  	v3 =	vand.u32 $0x7, v3  }
0xa6: {  	v3 =	vor.u32 v3, v4  }
0xa7: {  	v4 =	vperm.xlane v3, v0;
	_ =	sdelay $0x1  }
0xa8: {  	v4 =	vadd.s32 v1, v4;
	_ =	sdelay $0x3  }
0xa9: {  	v3 =	vperm.xlane v3, v2  }
0xaa: {  	[hbm4b:s2+s3] =	stream.indirect_vreg.scatter [tilespmem:s3], [sflag:$0x2], $0x80, v4, vm0, $0xb8;
	[tilespmem:$0xF200] =	vst v63  }
0xab: {  	v3 =	vadd.s32 v1, v3  }
0xac: {  	[hbm4b:s17+s3] =	stream.indirect_vreg.scatter [tilespmem:s14], [sflag:$0x2], $0x80, v4, vm0, $0xb8;
	[tilespmem:$0xF200] =	vst v63  }
0xad: {  	_ = 	snop  }
0xae: {  	[hbm4b:s18+s3] =	stream.indirect_vreg.scatter [tilespmem:s23], [sflag:$0x2], $0x80, v4, vm0, $0xb8;
	[tilespmem:$0xF200] =	vst v63  }
0xaf: {  	_ = 	snop  }
0xb0: {  	[hbm4b:s2+s3] =	stream.indirect_vreg.scatter [tilespmem:s24], [sflag:$0x2], $0x80, v3, vm0, $0xb8;
	[tilespmem:$0xF200] =	vst v63  }
0xb1: {  	_ = 	snop  }
0xb2: {  	[hbm4b:s17+s3] =	stream.indirect_vreg.scatter [tilespmem:s25], [sflag:$0x2], $0x80, v3, vm0, $0xb8;
	[tilespmem:$0xF200] =	vst v63  }
0xb3: {  	_ = 	snop  }
0xb4: {  	[hbm4b:s18+s3] =	stream.indirect_vreg.scatter [tilespmem:s26], [sflag:$0x2], $0x80, v3, vm0, $0xb8;
	[tilespmem:$0xF200] =	vst v63  }
0xb5: {  	_ =	swait.ge [sflag:s22], $0x3000  }
0xb6: {  	[sflag:s22] =	ssyncset.done $0x0  }
.Ltmp5:
0xb7: {  	s19 =	sor.u32 $0x1C01, s9;
	[sflag:s22] =	ssyncadd.s32 $0xFFFFD000;
	(pc) =	sbr.rel .LBB2_4-.Ltmp5, $4  }
0xb8: {  	[hbm:s2@s28], [sflag:s19] =	dma.strided [hbm:s31@s29], $0x60, s16, $0x10   }
0xb9: {  	_ =	swait.ge [sflag:s16], $0x60  }
0xba: {  	[sflag:s16] =	ssyncset.done $0x0  }
0xbb: {  	[sflag:s16] =	ssyncadd.s32 $0xFFFFFFA0  }
.LBB2_6:
0xbc: {  	_ =	sfence.sel $0x180000  }
0xbd: {  	[bflag:$0x0] =	sbarrier.arrive $0xFFFF  }
0xbe: {  	_ =	strace $0x90000047  }
0xbf: {  	s0 =	stileid.u32;
	[bflag:$0x2] =	sbarrier.arrive $0xFFFF  }
0xc0: {  	p0 =	sne.s32 s0, $0x0;
	s0 =	rddreg [dreg:$0x4]  }
0xc1: {  	s0 =	sadd.s32 @!p0 $0x100000, s0  }
0xc2: {  	[sflag:s0] =	ssyncadd.tile.s32 @!p0 $0x1;
	_ =	shalt  }
.Lfunc_end2:
_tile_overlayer_lowered:
.L_overlay_start_2:
0xc3: {  	(tag) =	ssettag $0x2  }
0xc4: {  	s0 =	rddreg [dreg:$0x0];
	s2 =	stileid.u32  }
0xc5: {  	s1 =	rddreg [dreg:$0x1];
	p0 =	sne.s32 s2, $0x0  }
0xc6: {  	s3 =	rddreg [dreg:$0x2];
	[bflag:$0x3] =	sbarrier.arrive $0xFFFF;
	s2 =	simm.s32 @!p0 $0x1C01  }
0xc7: {  	[timem:s3], [sflag:s2] =	dma.local @!p0 [hbm:s0], s1  }
0xc8: {  	s0 =	simm.s32 @!p0 $0x1  }
0xc9: {  	_ =	swait.ge @!p0 [sflag:s0], s1  }
0xca: {  	s1 =	ssub.s32 @!p0 $0x0, s1;
	[sflag:s0] =	ssyncset.done @!p0 $0x0  }
0xcb: {  	[sflag:s0] =	ssyncadd.s32 @!p0 s1  }
0xcc: {  	[bflag:$0x3] =	sbarrier.arrive $0xFFFF  }
0xcd: {  	_ =	shalt  }

</sc_bundles>
